<compile_context>
chip_gen: v7x
topology: tpu7x:2x2x1
jax: 0.10.2.dev20260603
libtpu: 0.0.44.dev20260713+nightly
codegen_flags: <defaults>
</compile_context>

<pallas_src>
import functools

import jax
import jax.numpy as jnp
from jax import lax
from jax.experimental import pallas as pl
from jax.experimental.pallas import tpu as pltpu
from jax.experimental.pallas import tpu_sc as plsc

VOCAB = 100000
D = 300
D_PAD = 304
B = 16384
CTX = 20
NEG = 20
TN = NEG + 1
TN_PAD = 24

NC = 2
NS = 16
NW = NC * NS
BPW = B // NW
G = 2
NG = BPW // G
SCORE_PAD = 32

NCH = D_PAD // 16


def _sc_scores(ctx_idx, tn_idx, w_in, w_out):
    mesh = plsc.VectorSubcoreMesh(
        core_axis_name="c", subcore_axis_name="s", num_cores=NC, num_subcores=NS
    )

    @functools.partial(
        pl.kernel,
        out_type=jax.ShapeDtypeStruct((NW, NG, G * SCORE_PAD), jnp.float32),
        mesh=mesh,
        compiler_params=pltpu.CompilerParams(
            needs_layout_passes=False, use_tc_tiling_on_sc=False
        ),
        scratch_types=[
            pltpu.VMEM((NG, G * CTX), jnp.int32),
            pltpu.VMEM((NG, G * TN_PAD), jnp.int32),
            pltpu.VMEM((G * CTX, D_PAD), jnp.float32),
            pltpu.VMEM((G * CTX, D_PAD), jnp.float32),
            pltpu.VMEM((G * TN_PAD, D_PAD), jnp.float32),
            pltpu.VMEM((G * TN_PAD, D_PAD), jnp.float32),
            pltpu.VMEM((NG, G * SCORE_PAD), jnp.float32),
            pltpu.SemaphoreType.DMA,
            pltpu.SemaphoreType.DMA,
            pltpu.SemaphoreType.DMA,
            pltpu.SemaphoreType.DMA,
        ],
    )
    def k(ctx_idx_hbm, tn_idx_hbm, w_in_hbm, w_out_hbm, out_hbm,
          ctx_idx_v, tn_idx_v, cb0, cb1, ob0, ob1, scores_v,
          sc0, sc1, so0, so1):
        cbufs, obufs = (cb0, cb1), (ob0, ob1)
        csems, osems = (sc0, sc1), (so0, so1)
        wid = lax.axis_index("s") * NC + lax.axis_index("c")
        pltpu.sync_copy(ctx_idx_hbm.at[wid], ctx_idx_v)
        pltpu.sync_copy(tn_idx_hbm.at[wid], tn_idx_v)

        lane = lax.iota(jnp.int32, 16)
        zero = jnp.zeros((16,), jnp.float32)
        inv_ctx = jnp.float32(1.0 / CTX)

        def ctx_accum(e, ctx_rows_v):
            def ctx_body(r, accs):
                row = e * CTX + r
                return tuple(
                    accs[j] + ctx_rows_v[row, pl.ds(j * 16, 16)]
                    for j in range(NCH)
                )

            accs = lax.fori_loop(0, CTX, ctx_body, (zero,) * NCH, unroll=4)
            return [a * inv_ctx for a in accs]

        def dots(g, e, ctxc, out_rows_v):
            def dot_body(r2, svecs):
                sv0, sv1 = svecs
                row = e * TN_PAD + r2
                parts = [ctxc[j] * out_rows_v[row, pl.ds(j * 16, 16)]
                         for j in range(NCH)]
                while len(parts) > 1:
                    parts = [parts[i] + parts[i + 1]
                             if i + 1 < len(parts) else parts[i]
                             for i in range(0, len(parts), 2)]
                s = jnp.sum(parts[0])
                s = jnp.where(r2 == 0, s, -s)
                sv0 = jnp.where(lane == r2, s, sv0)
                sv1 = jnp.where(lane == r2 - 16, s, sv1)
                return sv0, sv1

            sv0, sv1 = lax.fori_loop(0, TN, dot_body, (zero, zero), unroll=3)
            scores_v[g, pl.ds(e * SCORE_PAD, 16)] = sv0
            scores_v[g, pl.ds(e * SCORE_PAD + 16, 16)] = sv1

        def issue(g, b):
            pltpu.async_copy(w_in_hbm.at[ctx_idx_v.at[g]], cbufs[b], csems[b])
            pltpu.async_copy(w_out_hbm.at[tn_idx_v.at[g]], obufs[b], osems[b])

        def step(g, b, prefetch):
            pltpu.make_async_copy(
                w_in_hbm.at[ctx_idx_v.at[g]], cbufs[b], csems[b]).wait()
            pltpu.make_async_copy(
                w_out_hbm.at[tn_idx_v.at[g]], obufs[b], osems[b]).wait()
            scores_v[g, pl.ds(0, 16)] = zero
            if prefetch:
                issue(g + 2, b)

        issue(0, 0)
        issue(1, 1)

        def outer(i, carry):
            step(i * 2, 0, True)
            step(i * 2 + 1, 1, True)
            return carry

        lax.fori_loop(0, NG // 2 - 1, outer, 0)
        step(NG - 2, 0, False)
        step(NG - 1, 1, False)
        pltpu.sync_copy(scores_v, out_hbm.at[wid])

    return k(ctx_idx, tn_idx, w_in, w_out)


def _pad_body(x_ref, o_ref):
    o_ref[...] = jnp.concatenate(
        [x_ref[...], jnp.zeros((x_ref.shape[0], D_PAD - D), jnp.float32)],
        axis=1)


def _pad_table(w):
    rows = 2000
    return pl.pallas_call(
        _pad_body,
        grid=(VOCAB // rows,),
        in_specs=[pl.BlockSpec((rows, D), lambda i: (i, 0))],
        out_specs=pl.BlockSpec((rows, D_PAD), lambda i: (i, 0)),
        out_shape=jax.ShapeDtypeStruct((VOCAB, D_PAD), jnp.float32),
    )(w)


def _loss_body(x_ref, o_ref):
    x = x_ref[...]
    col = lax.broadcasted_iota(jnp.int32, x.shape, 1) % SCORE_PAD
    valid = col < TN
    ls = jnp.minimum(x, 0.0) - jnp.log1p(jnp.exp(-jnp.abs(x)))
    o_ref[0, 0] = -jnp.sum(jnp.where(valid, ls, 0.0)) * jnp.float32(1.0 / B)


def kernel(context, target, neg_samples, W_in, W_out):
    context = context.astype(jnp.int32)
    target = target.astype(jnp.int32)
    neg_samples = neg_samples.astype(jnp.int32)

    ctx_idx = context.reshape(NW, NG, G * CTX)
    tn = jnp.concatenate(
        [target[:, None], neg_samples,
         jnp.zeros((B, TN_PAD - TN), jnp.int32)], axis=1)
    tn_idx = tn.reshape(NW, NG, G * TN_PAD)

    w_in_p = _pad_table(W_in)
    w_out_p = _pad_table(W_out)

    scores = _sc_scores(ctx_idx, tn_idx, w_in_p, w_out_p)

    scores2d = scores.reshape(B * SCORE_PAD // 128, 128)
    loss = pl.pallas_call(
        _loss_body,
        out_shape=jax.ShapeDtypeStruct((1, 1), jnp.float32),
        out_specs=pl.BlockSpec(memory_space=pltpu.SMEM),
    )(scores2d)
    return loss[0, 0]

# --- scband reference (transcript-rebuilt; emitter-appended) ---
"""Pipeline reference for scband-cbownegative-sampling-28295244546419 (READ-ONLY COPY).

The authoritative reference and input builder live on the scoring server;
editing this copy changes nothing except your own understanding.
"""

import jax, jax.numpy as jnp
import numpy as np

VOCAB = 100000
EMBED_DIM = 300
BATCH = 16384
CTX = 20
NEG = 20

def setup_inputs(seed: int = 0) -> dict:
    key = jax.random.key(seed)
    k1, k2, k3, k4, k5 = jax.random.split(key, 5)
    context = jax.random.randint(k1, (BATCH, CTX), 0, VOCAB, dtype=jnp.int64 if jax.config.jax_enable_x64 else jnp.int32)
    target = jax.random.randint(k2, (BATCH,), 0, VOCAB, dtype=jnp.int64 if jax.config.jax_enable_x64 else jnp.int32)
    neg_samples = jax.random.randint(k3, (BATCH, NEG), 0, VOCAB, dtype=jnp.int64 if jax.config.jax_enable_x64 else jnp.int32)
    # nn.Embedding default init: N(0, 1)
    W_in = jax.random.normal(k4, (VOCAB, EMBED_DIM), dtype=jnp.float32)
    W_out = jax.random.normal(k5, (VOCAB, EMBED_DIM), dtype=jnp.float32)
    return {"context": context, "target": target, "neg_samples": neg_samples, "W_in": W_in, "W_out": W_out}

def reference(context, target, neg_samples, W_in, W_out):
    # context_embeds = in_embed(context).mean(dim=1)
    context_embeds = jnp.take(W_in, context, axis=0).mean(axis=1)          # [B, D]
    # target_embeds = out_embed(target)
    target_embeds = jnp.take(W_out, target, axis=0)                        # [B, D]
    # neg_embeds = out_embed(neg_samples)
    neg_embeds = jnp.take(W_out, neg_samples, axis=0)                      # [B, K, D]
    pos_scores = jnp.sum(context_embeds * target_embeds, axis=1)           # [B]
    # torch.bmm(neg_embeds, context_embeds.unsqueeze(2)).squeeze(2)
    neg_scores = jnp.einsum('bkd,bd->bk', neg_embeds, context_embeds)      # [B, K]
    pos_loss = jax.nn.log_sigmoid(pos_scores)
    neg_loss = jnp.sum(jax.nn.log_sigmoid(-neg_scores), axis=1)
    return -jnp.mean(pos_loss + neg_loss)

if __name__ == "__main__":
    import jax
    _d = setup_inputs()
    print(jax.jit(kernel)(*tuple(_d.values())))

</pallas_src>

<mosaic_0001>
#map = affine_map<(d0, d1) -> (0, 0, 0)>
#map1 = affine_map<(d0, d1) -> (0, 0)>
module attributes {stable_mosaic.version = 14 : i64} {
  func.func @k(%arg0: i32, %arg1: i32, %arg2: memref<32x256x40xi32, #tpu.memory_space<hbm>>, %arg3: memref<32x256x48xi32, #tpu.memory_space<hbm>>, %arg4: memref<100000x304xf32, #tpu.memory_space<hbm>>, %arg5: memref<100000x304xf32, #tpu.memory_space<hbm>>, %arg6: memref<32x256x64xf32, #tpu.memory_space<hbm>>, %arg7: memref<256x40xi32, #tpu.memory_space<vmem>>, %arg8: memref<256x48xi32, #tpu.memory_space<vmem>>, %arg9: memref<40x304xf32, #tpu.memory_space<vmem>>, %arg10: memref<40x304xf32, #tpu.memory_space<vmem>>, %arg11: memref<48x304xf32, #tpu.memory_space<vmem>>, %arg12: memref<48x304xf32, #tpu.memory_space<vmem>>, %arg13: memref<256x64xf32, #tpu.memory_space<vmem>>, %arg14: memref<!tpu.dma_semaphore, #tpu.memory_space<semaphore_mem>>, %arg15: memref<!tpu.dma_semaphore, #tpu.memory_space<semaphore_mem>>, %arg16: memref<!tpu.dma_semaphore, #tpu.memory_space<semaphore_mem>>, %arg17: memref<!tpu.dma_semaphore, #tpu.memory_space<semaphore_mem>>) attributes {dimension_semantics = [#tpu.dimension_semantics<core_parallel>, #tpu.dimension_semantics<subcore_parallel>], iteration_bounds = array<i64: 2, 16>, scalar_prefetch = 0 : i64, scratch_operands = 11 : i64, tpu.core_type = #tpu.core_type<sc_vector_subcore>, window_params = [{transform_indices = #map}, {transform_indices = #map}, {transform_indices = #map1}, {transform_indices = #map1}, {transform_indices = #map}]} {
    %mul3A = arith.constant 2 : i32
    %mul3A_0 = arith.muli %arg1, %mul3A : i32
    %add3A = arith.addi %mul3A_0, %arg0 : i32
    "tpu.region"() ({
      %run_scoped3A = tpu.sem_alloc : memref<!tpu.dma_semaphore, #tpu.memory_space<semaphore_mem>>
      %dma_start3A_68 = arith.constant 0 : i32
      %dma_start3A_69 = arith.constant 0 : i32
      %dma_start3A_70 = tpu.memref_slice %arg2[%add3A, %dma_start3A_68, %dma_start3A_69] : memref<32x256x40xi32, #tpu.memory_space<hbm>> -> memref<1x256x40xi32, #tpu.memory_space<hbm>>
      %dma_start3A_71 = tpu.memref_squeeze %dma_start3A_70 : memref<1x256x40xi32, #tpu.memory_space<hbm>> -> memref<256x40xi32, #tpu.memory_space<hbm>>
      %dma_start3A_72 = arith.constant 0 : i32
      %dma_start3A_73 = arith.constant 0 : i32
      %dma_start3A_74 = tpu.memref_slice %arg2[%add3A, %dma_start3A_72, %dma_start3A_73] : memref<32x256x40xi32, #tpu.memory_space<hbm>> -> memref<1x256x40xi32, #tpu.memory_space<hbm>>
      %dma_start3A_75 = tpu.memref_squeeze %dma_start3A_74 : memref<1x256x40xi32, #tpu.memory_space<hbm>> -> memref<256x40xi32, #tpu.memory_space<hbm>>
      tpu.enqueue_dma source(%dma_start3A_75 : memref<256x40xi32, #tpu.memory_space<hbm>>) target(%arg7 : memref<256x40xi32, #tpu.memory_space<vmem>>) target_semaphore(%run_scoped3A : memref<!tpu.dma_semaphore, #tpu.memory_space<semaphore_mem>>)
      %dma_wait3A_76 = arith.constant 0 : i32
      %dma_wait3A_77 = arith.constant 0 : i32
      %dma_wait3A_78 = tpu.memref_slice %arg2[%add3A, %dma_wait3A_76, %dma_wait3A_77] : memref<32x256x40xi32, #tpu.memory_space<hbm>> -> memref<1x256x40xi32, #tpu.memory_space<hbm>>
      %dma_wait3A_79 = tpu.memref_squeeze %dma_wait3A_78 : memref<1x256x40xi32, #tpu.memory_space<hbm>> -> memref<256x40xi32, #tpu.memory_space<hbm>>
      %dma_wait3A_80 = arith.constant 0 : i32
      %dma_wait3A_81 = arith.constant 0 : i32
      %dma_wait3A_82 = tpu.memref_slice %arg2[%add3A, %dma_wait3A_80, %dma_wait3A_81] : memref<32x256x40xi32, #tpu.memory_space<hbm>> -> memref<1x256x40xi32, #tpu.memory_space<hbm>>
      %dma_wait3A_83 = tpu.memref_squeeze %dma_wait3A_82 : memref<1x256x40xi32, #tpu.memory_space<hbm>> -> memref<256x40xi32, #tpu.memory_space<hbm>>
      tpu.wait_dma2 semaphore(%run_scoped3A : memref<!tpu.dma_semaphore, #tpu.memory_space<semaphore_mem>>) src(%dma_wait3A_83 : memref<256x40xi32, #tpu.memory_space<hbm>>) dst(%arg7 : memref<256x40xi32, #tpu.memory_space<vmem>>)
      tpu.yield
    }) : () -> ()
    "tpu.region"() ({
      %run_scoped3A = tpu.sem_alloc : memref<!tpu.dma_semaphore, #tpu.memory_space<semaphore_mem>>
      %dma_start3A_68 = arith.constant 0 : i32
      %dma_start3A_69 = arith.constant 0 : i32
      %dma_start3A_70 = tpu.memref_slice %arg3[%add3A, %dma_start3A_68, %dma_start3A_69] : memref<32x256x48xi32, #tpu.memory_space<hbm>> -> memref<1x256x48xi32, #tpu.memory_space<hbm>>
      %dma_start3A_71 = tpu.memref_squeeze %dma_start3A_70 : memref<1x256x48xi32, #tpu.memory_space<hbm>> -> memref<256x48xi32, #tpu.memory_space<hbm>>
      %dma_start3A_72 = arith.constant 0 : i32
      %dma_start3A_73 = arith.constant 0 : i32
      %dma_start3A_74 = tpu.memref_slice %arg3[%add3A, %dma_start3A_72, %dma_start3A_73] : memref<32x256x48xi32, #tpu.memory_space<hbm>> -> memref<1x256x48xi32, #tpu.memory_space<hbm>>
      %dma_start3A_75 = tpu.memref_squeeze %dma_start3A_74 : memref<1x256x48xi32, #tpu.memory_space<hbm>> -> memref<256x48xi32, #tpu.memory_space<hbm>>
      tpu.enqueue_dma source(%dma_start3A_75 : memref<256x48xi32, #tpu.memory_space<hbm>>) target(%arg8 : memref<256x48xi32, #tpu.memory_space<vmem>>) target_semaphore(%run_scoped3A : memref<!tpu.dma_semaphore, #tpu.memory_space<semaphore_mem>>)
      %dma_wait3A_76 = arith.constant 0 : i32
      %dma_wait3A_77 = arith.constant 0 : i32
      %dma_wait3A_78 = tpu.memref_slice %arg3[%add3A, %dma_wait3A_76, %dma_wait3A_77] : memref<32x256x48xi32, #tpu.memory_space<hbm>> -> memref<1x256x48xi32, #tpu.memory_space<hbm>>
      %dma_wait3A_79 = tpu.memref_squeeze %dma_wait3A_78 : memref<1x256x48xi32, #tpu.memory_space<hbm>> -> memref<256x48xi32, #tpu.memory_space<hbm>>
      %dma_wait3A_80 = arith.constant 0 : i32
      %dma_wait3A_81 = arith.constant 0 : i32
      %dma_wait3A_82 = tpu.memref_slice %arg3[%add3A, %dma_wait3A_80, %dma_wait3A_81] : memref<32x256x48xi32, #tpu.memory_space<hbm>> -> memref<1x256x48xi32, #tpu.memory_space<hbm>>
      %dma_wait3A_83 = tpu.memref_squeeze %dma_wait3A_82 : memref<1x256x48xi32, #tpu.memory_space<hbm>> -> memref<256x48xi32, #tpu.memory_space<hbm>>
      tpu.wait_dma2 semaphore(%run_scoped3A : memref<!tpu.dma_semaphore, #tpu.memory_space<semaphore_mem>>) src(%dma_wait3A_83 : memref<256x48xi32, #tpu.memory_space<hbm>>) dst(%arg8 : memref<256x48xi32, #tpu.memory_space<vmem>>)
      tpu.yield
    }) : () -> ()
    %iota3A = tpu.iota {dimensions = array<i32: 0>} : vector<16xi32>
    %broadcast_in_dim3A = arith.constant 0.000000e+00 : f32
    %broadcast_in_dim3A_1 = vector.broadcast %broadcast_in_dim3A : f32 to vector<16xf32>
    %dma_start3A = arith.constant 0 : i32
    %dma_start3A_2 = arith.constant 0 : i32
    %dma_start3A_3 = tpu.memref_slice %arg7[%dma_start3A, %dma_start3A_2] : memref<256x40xi32, #tpu.memory_space<vmem>> -> memref<1x40xi32, #tpu.memory_space<vmem>>
    %dma_start3A_4 = tpu.memref_squeeze %dma_start3A_3 : memref<1x40xi32, #tpu.memory_space<vmem>> -> memref<40xi32, #tpu.memory_space<vmem>>
    %dma_start3A_5 = arith.constant 0 : i32
    %dma_start3A_6 = arith.constant 0 : i32
    %dma_start3A_7 = tpu.memref_slice %arg4[%dma_start3A_5, %dma_start3A_6] : memref<100000x304xf32, #tpu.memory_space<hbm>> -> memref<100000x304xf32, #tpu.memory_space<hbm>>
    tpu.enqueue_indirect_dma source(%dma_start3A_7 : memref<100000x304xf32, #tpu.memory_space<hbm>>) target(%arg9 : memref<40x304xf32, #tpu.memory_space<vmem>>) offsets(%dma_start3A_4 : memref<40xi32, #tpu.memory_space<vmem>>) semaphore(%arg14 : memref<!tpu.dma_semaphore, #tpu.memory_space<semaphore_mem>>)
    %dma_start3A_8 = arith.constant 0 : i32
    %dma_start3A_9 = arith.constant 0 : i32
    %dma_start3A_10 = tpu.memref_slice %arg8[%dma_start3A_8, %dma_start3A_9] : memref<256x48xi32, #tpu.memory_space<vmem>> -> memref<1x48xi32, #tpu.memory_space<vmem>>
    %dma_start3A_11 = tpu.memref_squeeze %dma_start3A_10 : memref<1x48xi32, #tpu.memory_space<vmem>> -> memref<48xi32, #tpu.memory_space<vmem>>
    %dma_start3A_12 = arith.constant 0 : i32
    %dma_start3A_13 = arith.constant 0 : i32
    %dma_start3A_14 = tpu.memref_slice %arg5[%dma_start3A_12, %dma_start3A_13] : memref<100000x304xf32, #tpu.memory_space<hbm>> -> memref<100000x304xf32, #tpu.memory_space<hbm>>
    tpu.enqueue_indirect_dma source(%dma_start3A_14 : memref<100000x304xf32, #tpu.memory_space<hbm>>) target(%arg11 : memref<48x304xf32, #tpu.memory_space<vmem>>) offsets(%dma_start3A_11 : memref<48xi32, #tpu.memory_space<vmem>>) semaphore(%arg16 : memref<!tpu.dma_semaphore, #tpu.memory_space<semaphore_mem>>)
    %dma_start3A_15 = arith.constant 1 : i32
    %dma_start3A_16 = arith.constant 0 : i32
    %dma_start3A_17 = tpu.memref_slice %arg7[%dma_start3A_15, %dma_start3A_16] : memref<256x40xi32, #tpu.memory_space<vmem>> -> memref<1x40xi32, #tpu.memory_space<vmem>>
    %dma_start3A_18 = tpu.memref_squeeze %dma_start3A_17 : memref<1x40xi32, #tpu.memory_space<vmem>> -> memref<40xi32, #tpu.memory_space<vmem>>
    %dma_start3A_19 = arith.constant 0 : i32
    %dma_start3A_20 = arith.constant 0 : i32
    %dma_start3A_21 = tpu.memref_slice %arg4[%dma_start3A_19, %dma_start3A_20] : memref<100000x304xf32, #tpu.memory_space<hbm>> -> memref<100000x304xf32, #tpu.memory_space<hbm>>
    tpu.enqueue_indirect_dma source(%dma_start3A_21 : memref<100000x304xf32, #tpu.memory_space<hbm>>) target(%arg10 : memref<40x304xf32, #tpu.memory_space<vmem>>) offsets(%dma_start3A_18 : memref<40xi32, #tpu.memory_space<vmem>>) semaphore(%arg15 : memref<!tpu.dma_semaphore, #tpu.memory_space<semaphore_mem>>)
    %dma_start3A_22 = arith.constant 1 : i32
    %dma_start3A_23 = arith.constant 0 : i32
    %dma_start3A_24 = tpu.memref_slice %arg8[%dma_start3A_22, %dma_start3A_23] : memref<256x48xi32, #tpu.memory_space<vmem>> -> memref<1x48xi32, #tpu.memory_space<vmem>>
    %dma_start3A_25 = tpu.memref_squeeze %dma_start3A_24 : memref<1x48xi32, #tpu.memory_space<vmem>> -> memref<48xi32, #tpu.memory_space<vmem>>
    %dma_start3A_26 = arith.constant 0 : i32
    %dma_start3A_27 = arith.constant 0 : i32
    %dma_start3A_28 = tpu.memref_slice %arg5[%dma_start3A_26, %dma_start3A_27] : memref<100000x304xf32, #tpu.memory_space<hbm>> -> memref<100000x304xf32, #tpu.memory_space<hbm>>
    tpu.enqueue_indirect_dma source(%dma_start3A_28 : memref<100000x304xf32, #tpu.memory_space<hbm>>) target(%arg12 : memref<48x304xf32, #tpu.memory_space<vmem>>) offsets(%dma_start3A_25 : memref<48xi32, #tpu.memory_space<vmem>>) semaphore(%arg17 : memref<!tpu.dma_semaphore, #tpu.memory_space<semaphore_mem>>)
    %scan3A = arith.constant 0 : i32
    %scan3A_29 = arith.constant 0 : i32
    %scan3A_30 = arith.constant 127 : i32
    %scan3A_31 = arith.addi %scan3A_29, %scan3A_30 : i32
    %scan3A_32 = arith.constant 1 : i32
    scf.for %scan3A_68 = %scan3A_29 to %scan3A_31 step %scan3A_32  : i32 {
      %mul3A_69 = arith.constant 2 : i32
      %mul3A_70 = arith.muli %scan3A_68, %mul3A_69 : i32
      %dma_wait3A_71 = arith.constant 0 : i32
      %dma_wait3A_72 = tpu.memref_slice %arg7[%mul3A_70, %dma_wait3A_71] : memref<256x40xi32, #tpu.memory_space<vmem>> -> memref<1x40xi32, #tpu.memory_space<vmem>>
      %dma_wait3A_73 = tpu.memref_squeeze %dma_wait3A_72 : memref<1x40xi32, #tpu.memory_space<vmem>> -> memref<40xi32, #tpu.memory_space<vmem>>
      %dma_wait3A_74 = arith.constant 0 : i32
      %dma_wait3A_75 = arith.constant 0 : i32
      %dma_wait3A_76 = tpu.memref_slice %arg4[%dma_wait3A_74, %dma_wait3A_75] : memref<100000x304xf32, #tpu.memory_space<hbm>> -> memref<100000x304xf32, #tpu.memory_space<hbm>>
      tpu.wait_indirect_dma semaphore(%arg14 : memref<!tpu.dma_semaphore, #tpu.memory_space<semaphore_mem>>) src(%dma_wait3A_76 : memref<100000x304xf32, #tpu.memory_space<hbm>>) dst(%arg9 : memref<40x304xf32, #tpu.memory_space<vmem>>)
      %dma_wait3A_77 = arith.constant 0 : i32
      %dma_wait3A_78 = tpu.memref_slice %arg8[%mul3A_70, %dma_wait3A_77] : memref<256x48xi32, #tpu.memory_space<vmem>> -> memref<1x48xi32, #tpu.memory_space<vmem>>
      %dma_wait3A_79 = tpu.memref_squeeze %dma_wait3A_78 : memref<1x48xi32, #tpu.memory_space<vmem>> -> memref<48xi32, #tpu.memory_space<vmem>>
      %dma_wait3A_80 = arith.constant 0 : i32
      %dma_wait3A_81 = arith.constant 0 : i32
      %dma_wait3A_82 = tpu.memref_slice %arg5[%dma_wait3A_80, %dma_wait3A_81] : memref<100000x304xf32, #tpu.memory_space<hbm>> -> memref<100000x304xf32, #tpu.memory_space<hbm>>
      tpu.wait_indirect_dma semaphore(%arg16 : memref<!tpu.dma_semaphore, #tpu.memory_space<semaphore_mem>>) src(%dma_wait3A_82 : memref<100000x304xf32, #tpu.memory_space<hbm>>) dst(%arg11 : memref<48x304xf32, #tpu.memory_space<vmem>>)
      %swap3A_83 = arith.index_cast %mul3A_70 : i32 to index
      %swap3A_84 = arith.constant 0 : index
      %swap3A_85 = tpu.vector_load %arg13[%swap3A_83, %swap3A_84] {strides = array<i32>} : memref<256x64xf32, #tpu.memory_space<vmem>>, vector<16xf32>,
      tpu.vector_store %arg13[%swap3A_83, %swap3A_84], %broadcast_in_dim3A_1 {strides = array<i32>} : memref<256x64xf32, #tpu.memory_space<vmem>>, vector<16xf32>,
      %add3A_86 = arith.constant 2 : i32
      %add3A_87 = arith.addi %mul3A_70, %add3A_86 : i32
      %dma_start3A_88 = arith.constant 0 : i32
      %dma_start3A_89 = tpu.memref_slice %arg7[%add3A_87, %dma_start3A_88] : memref<256x40xi32, #tpu.memory_space<vmem>> -> memref<1x40xi32, #tpu.memory_space<vmem>>
      %dma_start3A_90 = tpu.memref_squeeze %dma_start3A_89 : memref<1x40xi32, #tpu.memory_space<vmem>> -> memref<40xi32, #tpu.memory_space<vmem>>
      %dma_start3A_91 = arith.constant 0 : i32
      %dma_start3A_92 = arith.constant 0 : i32
      %dma_start3A_93 = tpu.memref_slice %arg4[%dma_start3A_91, %dma_start3A_92] : memref<100000x304xf32, #tpu.memory_space<hbm>> -> memref<100000x304xf32, #tpu.memory_space<hbm>>
      tpu.enqueue_indirect_dma source(%dma_start3A_93 : memref<100000x304xf32, #tpu.memory_space<hbm>>) target(%arg9 : memref<40x304xf32, #tpu.memory_space<vmem>>) offsets(%dma_start3A_90 : memref<40xi32, #tpu.memory_space<vmem>>) semaphore(%arg14 : memref<!tpu.dma_semaphore, #tpu.memory_space<semaphore_mem>>)
      %dma_start3A_94 = arith.constant 0 : i32
      %dma_start3A_95 = tpu.memref_slice %arg8[%add3A_87, %dma_start3A_94] : memref<256x48xi32, #tpu.memory_space<vmem>> -> memref<1x48xi32, #tpu.memory_space<vmem>>
      %dma_start3A_96 = tpu.memref_squeeze %dma_start3A_95 : memref<1x48xi32, #tpu.memory_space<vmem>> -> memref<48xi32, #tpu.memory_space<vmem>>
      %dma_start3A_97 = arith.constant 0 : i32
      %dma_start3A_98 = arith.constant 0 : i32
      %dma_start3A_99 = tpu.memref_slice %arg5[%dma_start3A_97, %dma_start3A_98] : memref<100000x304xf32, #tpu.memory_space<hbm>> -> memref<100000x304xf32, #tpu.memory_space<hbm>>
      tpu.enqueue_indirect_dma source(%dma_start3A_99 : memref<100000x304xf32, #tpu.memory_space<hbm>>) target(%arg11 : memref<48x304xf32, #tpu.memory_space<vmem>>) offsets(%dma_start3A_96 : memref<48xi32, #tpu.memory_space<vmem>>) semaphore(%arg16 : memref<!tpu.dma_semaphore, #tpu.memory_space<semaphore_mem>>)
      %mul3A_100 = arith.constant 2 : i32
      %mul3A_101 = arith.muli %scan3A_68, %mul3A_100 : i32
      %add3A_102 = arith.constant 1 : i32
      %add3A_103 = arith.addi %mul3A_101, %add3A_102 : i32
      %dma_wait3A_104 = arith.constant 0 : i32
      %dma_wait3A_105 = tpu.memref_slice %arg7[%add3A_103, %dma_wait3A_104] : memref<256x40xi32, #tpu.memory_space<vmem>> -> memref<1x40xi32, #tpu.memory_space<vmem>>
      %dma_wait3A_106 = tpu.memref_squeeze %dma_wait3A_105 : memref<1x40xi32, #tpu.memory_space<vmem>> -> memref<40xi32, #tpu.memory_space<vmem>>
      %dma_wait3A_107 = arith.constant 0 : i32
      %dma_wait3A_108 = arith.constant 0 : i32
      %dma_wait3A_109 = tpu.memref_slice %arg4[%dma_wait3A_107, %dma_wait3A_108] : memref<100000x304xf32, #tpu.memory_space<hbm>> -> memref<100000x304xf32, #tpu.memory_space<hbm>>
      tpu.wait_indirect_dma semaphore(%arg15 : memref<!tpu.dma_semaphore, #tpu.memory_space<semaphore_mem>>) src(%dma_wait3A_109 : memref<100000x304xf32, #tpu.memory_space<hbm>>) dst(%arg10 : memref<40x304xf32, #tpu.memory_space<vmem>>)
      %dma_wait3A_110 = arith.constant 0 : i32
      %dma_wait3A_111 = tpu.memref_slice %arg8[%add3A_103, %dma_wait3A_110] : memref<256x48xi32, #tpu.memory_space<vmem>> -> memref<1x48xi32, #tpu.memory_space<vmem>>
      %dma_wait3A_112 = tpu.memref_squeeze %dma_wait3A_111 : memref<1x48xi32, #tpu.memory_space<vmem>> -> memref<48xi32, #tpu.memory_space<vmem>>
      %dma_wait3A_113 = arith.constant 0 : i32
      %dma_wait3A_114 = arith.constant 0 : i32
      %dma_wait3A_115 = tpu.memref_slice %arg5[%dma_wait3A_113, %dma_wait3A_114] : memref<100000x304xf32, #tpu.memory_space<hbm>> -> memref<100000x304xf32, #tpu.memory_space<hbm>>
      tpu.wait_indirect_dma semaphore(%arg17 : memref<!tpu.dma_semaphore, #tpu.memory_space<semaphore_mem>>) src(%dma_wait3A_115 : memref<100000x304xf32, #tpu.memory_space<hbm>>) dst(%arg12 : memref<48x304xf32, #tpu.memory_space<vmem>>)
      %swap3A_116 = arith.index_cast %add3A_103 : i32 to index
      %swap3A_117 = arith.constant 0 : index
      %swap3A_118 = tpu.vector_load %arg13[%swap3A_116, %swap3A_117] {strides = array<i32>} : memref<256x64xf32, #tpu.memory_space<vmem>>, vector<16xf32>,
      tpu.vector_store %arg13[%swap3A_116, %swap3A_117], %broadcast_in_dim3A_1 {strides = array<i32>} : memref<256x64xf32, #tpu.memory_space<vmem>>, vector<16xf32>,
      %add3A_119 = arith.constant 2 : i32
      %add3A_120 = arith.addi %add3A_103, %add3A_119 : i32
      %dma_start3A_121 = arith.constant 0 : i32
      %dma_start3A_122 = tpu.memref_slice %arg7[%add3A_120, %dma_start3A_121] : memref<256x40xi32, #tpu.memory_space<vmem>> -> memref<1x40xi32, #tpu.memory_space<vmem>>
      %dma_start3A_123 = tpu.memref_squeeze %dma_start3A_122 : memref<1x40xi32, #tpu.memory_space<vmem>> -> memref<40xi32, #tpu.memory_space<vmem>>
      %dma_start3A_124 = arith.constant 0 : i32
      %dma_start3A_125 = arith.constant 0 : i32
      %dma_start3A_126 = tpu.memref_slice %arg4[%dma_start3A_124, %dma_start3A_125] : memref<100000x304xf32, #tpu.memory_space<hbm>> -> memref<100000x304xf32, #tpu.memory_space<hbm>>
      tpu.enqueue_indirect_dma source(%dma_start3A_126 : memref<100000x304xf32, #tpu.memory_space<hbm>>) target(%arg10 : memref<40x304xf32, #tpu.memory_space<vmem>>) offsets(%dma_start3A_123 : memref<40xi32, #tpu.memory_space<vmem>>) semaphore(%arg15 : memref<!tpu.dma_semaphore, #tpu.memory_space<semaphore_mem>>)
      %dma_start3A_127 = arith.constant 0 : i32
      %dma_start3A_128 = tpu.memref_slice %arg8[%add3A_120, %dma_start3A_127] : memref<256x48xi32, #tpu.memory_space<vmem>> -> memref<1x48xi32, #tpu.memory_space<vmem>>
      %dma_start3A_129 = tpu.memref_squeeze %dma_start3A_128 : memref<1x48xi32, #tpu.memory_space<vmem>> -> memref<48xi32, #tpu.memory_space<vmem>>
      %dma_start3A_130 = arith.constant 0 : i32
      %dma_start3A_131 = arith.constant 0 : i32
      %dma_start3A_132 = tpu.memref_slice %arg5[%dma_start3A_130, %dma_start3A_131] : memref<100000x304xf32, #tpu.memory_space<hbm>> -> memref<100000x304xf32, #tpu.memory_space<hbm>>
      tpu.enqueue_indirect_dma source(%dma_start3A_132 : memref<100000x304xf32, #tpu.memory_space<hbm>>) target(%arg12 : memref<48x304xf32, #tpu.memory_space<vmem>>) offsets(%dma_start3A_129 : memref<48xi32, #tpu.memory_space<vmem>>) semaphore(%arg17 : memref<!tpu.dma_semaphore, #tpu.memory_space<semaphore_mem>>)
    }
    %scan3A_33 = arith.constant 127 : i32
    %dma_wait3A = arith.constant 254 : i32
    %dma_wait3A_34 = arith.constant 0 : i32
    %dma_wait3A_35 = tpu.memref_slice %arg7[%dma_wait3A, %dma_wait3A_34] : memref<256x40xi32, #tpu.memory_space<vmem>> -> memref<1x40xi32, #tpu.memory_space<vmem>>
    %dma_wait3A_36 = tpu.memref_squeeze %dma_wait3A_35 : memref<1x40xi32, #tpu.memory_space<vmem>> -> memref<40xi32, #tpu.memory_space<vmem>>
    %dma_wait3A_37 = arith.constant 0 : i32
    %dma_wait3A_38 = arith.constant 0 : i32
    %dma_wait3A_39 = tpu.memref_slice %arg4[%dma_wait3A_37, %dma_wait3A_38] : memref<100000x304xf32, #tpu.memory_space<hbm>> -> memref<100000x304xf32, #tpu.memory_space<hbm>>
    tpu.wait_indirect_dma semaphore(%arg14 : memref<!tpu.dma_semaphore, #tpu.memory_space<semaphore_mem>>) src(%dma_wait3A_39 : memref<100000x304xf32, #tpu.memory_space<hbm>>) dst(%arg9 : memref<40x304xf32, #tpu.memory_space<vmem>>)
    %dma_wait3A_40 = arith.constant 254 : i32
    %dma_wait3A_41 = arith.constant 0 : i32
    %dma_wait3A_42 = tpu.memref_slice %arg8[%dma_wait3A_40, %dma_wait3A_41] : memref<256x48xi32, #tpu.memory_space<vmem>> -> memref<1x48xi32, #tpu.memory_space<vmem>>
    %dma_wait3A_43 = tpu.memref_squeeze %dma_wait3A_42 : memref<1x48xi32, #tpu.memory_space<vmem>> -> memref<48xi32, #tpu.memory_space<vmem>>
    %dma_wait3A_44 = arith.constant 0 : i32
    %dma_wait3A_45 = arith.constant 0 : i32
    %dma_wait3A_46 = tpu.memref_slice %arg5[%dma_wait3A_44, %dma_wait3A_45] : memref<100000x304xf32, #tpu.memory_space<hbm>> -> memref<100000x304xf32, #tpu.memory_space<hbm>>
    tpu.wait_indirect_dma semaphore(%arg16 : memref<!tpu.dma_semaphore, #tpu.memory_space<semaphore_mem>>) src(%dma_wait3A_46 : memref<100000x304xf32, #tpu.memory_space<hbm>>) dst(%arg11 : memref<48x304xf32, #tpu.memory_space<vmem>>)
    %swap3A = arith.constant 254 : i32
    %swap3A_47 = arith.index_cast %swap3A : i32 to index
    %swap3A_48 = arith.constant 0 : index
    %swap3A_49 = tpu.vector_load %arg13[%swap3A_47, %swap3A_48] {strides = array<i32>} : memref<256x64xf32, #tpu.memory_space<vmem>>, vector<16xf32>,
    tpu.vector_store %arg13[%swap3A_47, %swap3A_48], %broadcast_in_dim3A_1 {strides = array<i32>} : memref<256x64xf32, #tpu.memory_space<vmem>>, vector<16xf32>,
    %dma_wait3A_50 = arith.constant 255 : i32
    %dma_wait3A_51 = arith.constant 0 : i32
    %dma_wait3A_52 = tpu.memref_slice %arg7[%dma_wait3A_50, %dma_wait3A_51] : memref<256x40xi32, #tpu.memory_space<vmem>> -> memref<1x40xi32, #tpu.memory_space<vmem>>
    %dma_wait3A_53 = tpu.memref_squeeze %dma_wait3A_52 : memref<1x40xi32, #tpu.memory_space<vmem>> -> memref<40xi32, #tpu.memory_space<vmem>>
    %dma_wait3A_54 = arith.constant 0 : i32
    %dma_wait3A_55 = arith.constant 0 : i32
    %dma_wait3A_56 = tpu.memref_slice %arg4[%dma_wait3A_54, %dma_wait3A_55] : memref<100000x304xf32, #tpu.memory_space<hbm>> -> memref<100000x304xf32, #tpu.memory_space<hbm>>
    tpu.wait_indirect_dma semaphore(%arg15 : memref<!tpu.dma_semaphore, #tpu.memory_space<semaphore_mem>>) src(%dma_wait3A_56 : memref<100000x304xf32, #tpu.memory_space<hbm>>) dst(%arg10 : memref<40x304xf32, #tpu.memory_space<vmem>>)
    %dma_wait3A_57 = arith.constant 255 : i32
    %dma_wait3A_58 = arith.constant 0 : i32
    %dma_wait3A_59 = tpu.memref_slice %arg8[%dma_wait3A_57, %dma_wait3A_58] : memref<256x48xi32, #tpu.memory_space<vmem>> -> memref<1x48xi32, #tpu.memory_space<vmem>>
    %dma_wait3A_60 = tpu.memref_squeeze %dma_wait3A_59 : memref<1x48xi32, #tpu.memory_space<vmem>> -> memref<48xi32, #tpu.memory_space<vmem>>
    %dma_wait3A_61 = arith.constant 0 : i32
    %dma_wait3A_62 = arith.constant 0 : i32
    %dma_wait3A_63 = tpu.memref_slice %arg5[%dma_wait3A_61, %dma_wait3A_62] : memref<100000x304xf32, #tpu.memory_space<hbm>> -> memref<100000x304xf32, #tpu.memory_space<hbm>>
    tpu.wait_indirect_dma semaphore(%arg17 : memref<!tpu.dma_semaphore, #tpu.memory_space<semaphore_mem>>) src(%dma_wait3A_63 : memref<100000x304xf32, #tpu.memory_space<hbm>>) dst(%arg12 : memref<48x304xf32, #tpu.memory_space<vmem>>)
    %swap3A_64 = arith.constant 255 : i32
    %swap3A_65 = arith.index_cast %swap3A_64 : i32 to index
    %swap3A_66 = arith.constant 0 : index
    %swap3A_67 = tpu.vector_load %arg13[%swap3A_65, %swap3A_66] {strides = array<i32>} : memref<256x64xf32, #tpu.memory_space<vmem>>, vector<16xf32>,
    tpu.vector_store %arg13[%swap3A_65, %swap3A_66], %broadcast_in_dim3A_1 {strides = array<i32>} : memref<256x64xf32, #tpu.memory_space<vmem>>, vector<16xf32>,
    "tpu.region"() ({
      %run_scoped3A = tpu.sem_alloc : memref<!tpu.dma_semaphore, #tpu.memory_space<semaphore_mem>>
      %dma_start3A_68 = arith.constant 0 : i32
      %dma_start3A_69 = arith.constant 0 : i32
      %dma_start3A_70 = tpu.memref_slice %arg6[%add3A, %dma_start3A_68, %dma_start3A_69] : memref<32x256x64xf32, #tpu.memory_space<hbm>> -> memref<1x256x64xf32, #tpu.memory_space<hbm>>
      %dma_start3A_71 = tpu.memref_squeeze %dma_start3A_70 : memref<1x256x64xf32, #tpu.memory_space<hbm>> -> memref<256x64xf32, #tpu.memory_space<hbm>>
      %dma_start3A_72 = arith.constant 0 : i32
      %dma_start3A_73 = arith.constant 0 : i32
      %dma_start3A_74 = tpu.memref_slice %arg6[%add3A, %dma_start3A_72, %dma_start3A_73] : memref<32x256x64xf32, #tpu.memory_space<hbm>> -> memref<1x256x64xf32, #tpu.memory_space<hbm>>
      %dma_start3A_75 = tpu.memref_squeeze %dma_start3A_74 : memref<1x256x64xf32, #tpu.memory_space<hbm>> -> memref<256x64xf32, #tpu.memory_space<hbm>>
      tpu.enqueue_dma source(%arg13 : memref<256x64xf32, #tpu.memory_space<vmem>>) target(%dma_start3A_75 : memref<256x64xf32, #tpu.memory_space<hbm>>) target_semaphore(%run_scoped3A : memref<!tpu.dma_semaphore, #tpu.memory_space<semaphore_mem>>)
      %dma_wait3A_76 = arith.constant 0 : i32
      %dma_wait3A_77 = arith.constant 0 : i32
      %dma_wait3A_78 = tpu.memref_slice %arg6[%add3A, %dma_wait3A_76, %dma_wait3A_77] : memref<32x256x64xf32, #tpu.memory_space<hbm>> -> memref<1x256x64xf32, #tpu.memory_space<hbm>>
      %dma_wait3A_79 = tpu.memref_squeeze %dma_wait3A_78 : memref<1x256x64xf32, #tpu.memory_space<hbm>> -> memref<256x64xf32, #tpu.memory_space<hbm>>
      %dma_wait3A_80 = arith.constant 0 : i32
      %dma_wait3A_81 = arith.constant 0 : i32
      %dma_wait3A_82 = tpu.memref_slice %arg6[%add3A, %dma_wait3A_80, %dma_wait3A_81] : memref<32x256x64xf32, #tpu.memory_space<hbm>> -> memref<1x256x64xf32, #tpu.memory_space<hbm>>
      %dma_wait3A_83 = tpu.memref_squeeze %dma_wait3A_82 : memref<1x256x64xf32, #tpu.memory_space<hbm>> -> memref<256x64xf32, #tpu.memory_space<hbm>>
      tpu.wait_dma2 semaphore(%run_scoped3A : memref<!tpu.dma_semaphore, #tpu.memory_space<semaphore_mem>>) src(%arg13 : memref<256x64xf32, #tpu.memory_space<vmem>>) dst(%dma_wait3A_83 : memref<256x64xf32, #tpu.memory_space<hbm>>)
      tpu.yield
    }) : () -> ()
    return
  }
}

module attributes {stable_mosaic.version = 14 : i64} {
  func.func @_pad_body(%arg0: i32, %arg1: memref<2000x300xf32, #tpu.memory_space<vmem>>, %arg2: memref<2000x304xf32, #tpu.memory_space<vmem>>) attributes {dimension_semantics = [#tpu.dimension_semantics<arbitrary>], iteration_bounds = array<i64: 50>, scalar_prefetch = 0 : i64, scratch_operands = 0 : i64, tpu.core_type = #tpu.core_type<tc>, window_params = [{transform_indices = @transform_0, window_bounds = array<i64: 2000, 300>}, {transform_indices = @transform_1, window_bounds = array<i64: 2000, 304>}]} {
    %get3A = arith.constant 0 : index
    %get3A_0 = arith.constant 0 : index
    %get3A_1 = vector.load %arg1[%get3A, %get3A_0] : memref<2000x300xf32, #tpu.memory_space<vmem>>, vector<2000x300xf32>
    %broadcast_in_dim3A = arith.constant 0.000000e+00 : f32
    %broadcast_in_dim3A_2 = vector.broadcast %broadcast_in_dim3A : f32 to vector<2000x4xf32>
    %concatenate3A = tpu.concatenate %get3A_1, %broadcast_in_dim3A_2 in 1 : vector<2000x300xf32>, vector<2000x4xf32> -> vector<2000x304xf32>
    %swap3A = arith.constant 0 : index
    %swap3A_3 = arith.constant 0 : index
    %swap3A_4 = vector.load %arg2[%swap3A, %swap3A_3] : memref<2000x304xf32, #tpu.memory_space<vmem>>, vector<2000x304xf32>
    tpu.vector_store %arg2[%swap3A, %swap3A_3], %concatenate3A {strides = array<i32>} : memref<2000x304xf32, #tpu.memory_space<vmem>>, vector<2000x304xf32>,
    return
  }
  func.func @transform_0(%arg0: i32) -> (i32, i32) {
    %c0_i32 = arith.constant 0 : i32
    %c0_i32_0 = arith.constant 0 : i32
    return %arg0, %c0_i32 : i32, i32
  }
  func.func @transform_1(%arg0: i32) -> (i32, i32) {
    %c0_i32 = arith.constant 0 : i32
    %c0_i32_0 = arith.constant 0 : i32
    return %arg0, %c0_i32 : i32, i32
  }
}

module attributes {stable_mosaic.version = 14 : i64} {
  func.func @_loss_body(%arg0: memref<4096x128xf32, #tpu.memory_space<vmem>>, %arg1: memref<1x1xf32, #tpu.memory_space<smem>>) attributes {dimension_semantics = [], scalar_prefetch = 0 : i64, scratch_operands = 0 : i64, tpu.core_type = #tpu.core_type<tc>} {
    %get3A = arith.constant 0 : index
    %get3A_0 = arith.constant 0 : index
    %get3A_1 = vector.load %arg0[%get3A, %get3A_0] : memref<4096x128xf32, #tpu.memory_space<vmem>>, vector<4096x128xf32>
    %iota3A = tpu.iota {dimensions = array<i32: 1>} : vector<4096x128xi32>
    %jit3A = arith.constant 32 : i32
    %eq3A = arith.constant 0 : i32
    %eq3A_2 = arith.cmpi eq, %jit3A, %eq3A : i32
    %jit3A_3 = arith.constant 1 : i32
    %select_n3A = arith.select %eq3A_2, %jit3A_3, %jit3A : i32
    %rem3A = vector.broadcast %select_n3A : i32 to vector<4096x128xi32>
    %rem3A_4 = arith.remsi %iota3A, %rem3A : vector<4096x128xi32>
    %ne3A = arith.constant 0 : i32
    %ne3A_5 = vector.broadcast %ne3A : i32 to vector<4096x128xi32>
    %ne3A_6 = arith.cmpi ne, %rem3A_4, %ne3A_5 : vector<4096x128xi32>
    %lt3A = arith.constant 0 : i32
    %lt3A_7 = vector.broadcast %lt3A : i32 to vector<4096x128xi32>
    %lt3A_8 = arith.cmpi slt, %rem3A_4, %lt3A_7 : vector<4096x128xi32>
    %lt3A_9 = arith.constant 0 : i32
    %lt3A_10 = arith.cmpi slt, %select_n3A, %lt3A_9 : i32
    %ne3A_11 = vector.broadcast %lt3A_10 : i1 to vector<4096x128xi1>
    %ne3A_12 = vector.broadcast %ne3A_11 : vector<4096x128xi1> to vector<4096x128xi1>
    %ne3A_13 = arith.xori %lt3A_8, %ne3A_12 : vector<4096x128xi1>
    %and3A = arith.andi %ne3A_13, %ne3A_6 : vector<4096x128xi1>
    %add3A = vector.broadcast %select_n3A : i32 to vector<4096x128xi32>
    %add3A_14 = arith.addi %rem3A_4, %add3A : vector<4096x128xi32>
    %select_n3A_15 = arith.select %and3A, %add3A_14, %rem3A_4 : vector<4096x128xi1>, vector<4096x128xi32>
    %lt3A_16 = arith.constant 21 : i32
    %lt3A_17 = vector.broadcast %lt3A_16 : i32 to vector<4096x128xi32>
    %lt3A_18 = arith.cmpi slt, %select_n3A_15, %lt3A_17 : vector<4096x128xi32>
    %min3A = arith.constant 0.000000e+00 : f32
    %min3A_19 = vector.broadcast %min3A : f32 to vector<4096x128xf32>
    %min3A_20 = arith.minimumf %get3A_1, %min3A_19 : vector<4096x128xf32>
    %abs3A = math.absf %get3A_1 : vector<4096x128xf32>
    %neg3A = arith.constant 0.000000e+00 : f32
    %neg3A_21 = vector.broadcast %neg3A : f32 to vector<4096x128xf32>
    %neg3A_22 = arith.subf %neg3A_21, %abs3A : vector<4096x128xf32>
    %exp3A = math.exp %neg3A_22 : vector<4096x128xf32>
    %log1p3A = math.log1p %exp3A : vector<4096x128xf32>
    %sub3A = arith.subf %min3A_20, %log1p3A : vector<4096x128xf32>
    %jit3A_23 = arith.constant 0.000000e+00 : f32
    %broadcast_in_dim3A = vector.broadcast %jit3A_23 : f32 to vector<4096x128xf32>
    %select_n3A_24 = arith.select %lt3A_18, %sub3A, %broadcast_in_dim3A : vector<4096x128xi1>, vector<4096x128xf32>
    %reduce_sum3A = vector.shape_cast %select_n3A_24 : vector<4096x128xf32> to vector<1x4096x128xf32>
    %reduce_sum3A_25 = arith.constant dense<0.000000e+00> : vector<1xf32>
    %reduce_sum3A_26 = vector.multi_reduction <add>, %reduce_sum3A, %reduce_sum3A_25 [1, 2] : vector<1x4096x128xf32> to vector<1xf32>
    %reduce_sum3A_27 = vector.shape_cast %reduce_sum3A_26 : vector<1xf32> to vector<1x1x1xf32>
    %reduce_sum3A_28 = vector.extract %reduce_sum3A_27[0, 0, 0] : f32 from vector<1x1x1xf32>
    %neg3A_29 = arith.constant 0.000000e+00 : f32
    %neg3A_30 = arith.subf %neg3A_29, %reduce_sum3A_28 : f32
    %mul3A = arith.constant 6.10351563E-5 : f32
    %mul3A_31 = arith.mulf %neg3A_30, %mul3A : f32
    %swap3A = arith.constant 0 : index
    %swap3A_32 = arith.constant 0 : index
    %swap3A_33 = memref.load %arg1[%swap3A, %swap3A_32] : memref<1x1xf32, #tpu.memory_space<smem>>
    memref.store %mul3A_31, %arg1[%swap3A, %swap3A_32] : memref<1x1xf32, #tpu.memory_space<smem>>
    return
  }
}

</mosaic_0001>

<sc_bundles>
// kernel: kernel.6.cloned.1.call-start
scs
__scs_entry_jumppad:
0x0: {  	(pc) =	sbr.rel $0x88, $3  }
0x1: {  	(tag) =	ssettag $0x0;
	lr =	simm.s32 $0x1  }
0x2: {  	[smem:$0x3F9C] =	sst lr;
	_ =	strace $0xD0000000  }
0x3: {  	_ = 	snop  }
0x4: {  	_ = 	snop  }
0x5: {  	_ = 	snop  }
0x6: {  	_ = 	snop  }
0x7: {  	_ = 	snop  }
__scs_overlays_trampoline_lowered:
0x8: {  	[smem:$0x3FAB] =	sst s0  }
0x9: {  	[smem:$0x3FAC] =	sst s1  }
0xa: {  	[smem:$0x3FAD] =	sst s2  }
0xb: {  	[smem:$0x3FAE] =	sst s3  }
0xc: {  	[smem:$0x3FAF] =	sst s4  }
0xd: {  	[smem:$0x3FB0] =	sst s5  }
0xe: {  	[smem:$0x3FB1] =	sst s6  }
0xf: {  	[smem:$0x3FB2] =	sst s7  }
0x10: {  	[smem:$0x3FB3] =	sst s8  }
0x11: {  	[smem:$0x3FB4] =	sst s9;
	s0 =	simm.s32 @!p0 $0x0  }
0x12: {  	s1 =	sld [smem:$0x3F9A];
	s0 =	simm.s32 @p0 $0x1  }
0x13: {  	[smem:$0x3FB5] =	sst s0;
	s0 =	simm.s32 @!p1 $0x0  }
0x14: {  	s2 =	sld [smem:$0x3F99];
	s0 =	simm.s32 @p1 $0x1  }
0x15: {  	[smem:$0x3FB6] =	sst s0;
	s0 =	simm.s32 @!p2 $0x0  }
0x16: {  	s3 =	sld [smem:$0x3FDB];
	s0 =	simm.s32 @p2 $0x1  }
0x17: {  	s4 =	simm.s32 $0x1BF5;
	[smem:$0x3FB8] =	sst s0  }
0x18: {  	s0 =	sld [smem:$0x3F9B];
	_ =	swait.ge [sflag:s4], $0x0  }
0x19: {  	s7 =	sld [smem:$0x3F9C]  }
0x1a: {  	s8 =	sadd.s32 $0xFFFFE003, lr  }
0x1b: {  	s9 =	sadd.s32 $0xFFFFFEF7, lr;
	s5 =	simm.s32 $0xFFFFFFFF;
	p2 =	slt.u32 s8, $0xFFFFF086  }
0x1c: {  	p1 =	slt.u32 s9, $0xF7A;
	s5 =	simm.s32 @!p2 $0x0  }
0x1d: {  	s5 =	simm.s32 @p1 $0x1;
	p0 =	seq.s32 s7, s2  }
0x1e: {  	s7 =	smul.u32 @!p0 $0xF7A, s2;
	p2 =	seq.s32 @!p0 s5, $0x0  }
0x1f: {  	s9 =	smul.u32 $0xF7A, s1;
	s8 =	simm.s32 @!p0 $0x1BF5;
	p2 =	por !p2, p0  }
0x20: {  	[sflag:s8] =	ssyncset.s32 @!p0 $0xFFFFF086;
	s6 =	sadd.s32 @!p0 s3, s7;
	s7 =	simm.s32 @!p0 $0x108  }
0x21: {  	s3 =	sadd.s32 s3, s9;
	s6 =	sadd.s32 @!p0 $0x88, s6;
	s7 =	simm.s32 @p2 $0x1082  }
0x22: {  	[simem:s7], [sflag:s8] =	dma.local @!p0 [hbm:s6], $0xF7A  }
0x23: {  	s9 =	sor.u32 $0xD0000000, s2;
	s6 =	simm.s32 $0x108;
	_ =	swait.ge @!p0 [sflag:s8], $0x0  }
0x24: {  	s3 =	sadd.s32 $0x88, s3;
	s6 =	simm.s32 @!p1 $0x1082;
	[sflag:s4] =	ssyncset.s32 $0xFFFFF086  }
0x25: {  	[simem:s6], [sflag:s4] =	dma.local [hbm:s3], $0xF7A  }
0x26: {  	[smem:$0x3F9C] =	sst s1;
	(tag) =	ssettag s2;
	_ =	strace s9  }
0x27: {  	s1 =	sld [smem:$0x3FAC]  }
0x28: {  	s2 =	sld [smem:$0x3FAD]  }
0x29: {  	s4 =	sld [smem:$0x3FAF]  }
0x2a: {  	p0 =	seq.s32 s5, $0x0;
	s5 =	sld [smem:$0x3FB0]  }
0x2b: {  	s6 =	sld [smem:$0x3FB1]  }
0x2c: {  	s7 =	sld [smem:$0x3FB2]  }
0x2d: {  	s3 =	simm.s32 $0x108;
	s8 =	sld [smem:$0x3FB3]  }
0x2e: {  	s3 =	simm.s32 @!p0 $0x1082;
	s9 =	sld [smem:$0x3FB4]  }
0x2f: {  	lr =	sadd.s32 s0, s3;
	s0 =	sld [smem:$0x3FAB]  }
0x30: {  	s3 =	sld [smem:$0x3FAE]  }
0x31: {  	[smem:$0x3FB7] =	sst s10  }
0x32: {  	s10 =	sld [smem:$0x3FB5];
	_ =	sdelay $0x3  }
0x33: {  	p0 =	seq.s32 s10, $0x1;
	s10 =	sld [smem:$0x3FB7];
	_ =	sdelay $0x3  }
0x34: {  	[smem:$0x3FB7] =	sst s10  }
0x35: {  	s10 =	sld [smem:$0x3FB6];
	_ =	sdelay $0x3  }
0x36: {  	p1 =	seq.s32 s10, $0x1;
	s10 =	sld [smem:$0x3FB7];
	_ =	sdelay $0x3  }
0x37: {  	[smem:$0x3FB7] =	sst s10  }
0x38: {  	s10 =	sld [smem:$0x3FB8]  }
0x39: {  	_ = 	snop;
	(pc) =	sbr.ind lr, $3  }
0x3a: {  	_ = 	snop  }
0x3b: {  	_ = 	snop  }
0x3c: {  	p2 =	seq.s32 s10, $0x1;
	s10 =	sld [smem:$0x3FB7]  }
0x3d: {  	_ =	shalt  }
0x3e: {  	_ =	shalt  }
0x3f: {  	_ =	shalt  }
0x40: {  	_ =	shalt  }
0x41: {  	_ =	shalt  }
0x42: {  	_ =	shalt  }
0x43: {  	_ =	shalt  }
0x44: {  	_ =	shalt  }
0x45: {  	_ =	shalt  }
0x46: {  	_ =	shalt  }
0x47: {  	_ =	shalt  }
0x48: {  	_ =	shalt  }
0x49: {  	_ =	shalt  }
0x4a: {  	_ =	shalt  }
0x4b: {  	_ =	shalt  }
0x4c: {  	_ =	shalt  }
0x4d: {  	_ =	shalt  }
0x4e: {  	_ =	shalt  }
0x4f: {  	_ =	shalt  }
0x50: {  	_ =	shalt  }
0x51: {  	_ =	shalt  }
0x52: {  	_ =	shalt  }
0x53: {  	_ =	shalt  }
0x54: {  	_ =	shalt  }
0x55: {  	_ =	shalt  }
0x56: {  	_ =	shalt  }
0x57: {  	_ =	shalt  }
0x58: {  	_ =	shalt  }
0x59: {  	_ =	shalt  }
0x5a: {  	_ =	shalt  }
0x5b: {  	_ =	shalt  }
0x5c: {  	_ =	shalt  }
0x5d: {  	_ =	shalt  }
0x5e: {  	_ =	shalt  }
0x5f: {  	_ =	shalt  }
0x60: {  	_ =	shalt  }
0x61: {  	_ =	shalt  }
0x62: {  	_ =	shalt  }
0x63: {  	_ =	shalt  }
0x64: {  	_ =	shalt  }
0x65: {  	_ =	shalt  }
0x66: {  	_ =	shalt  }
0x67: {  	_ =	shalt  }
0x68: {  	_ =	shalt  }
0x69: {  	_ =	shalt  }
0x6a: {  	_ =	shalt  }
0x6b: {  	_ =	shalt  }
0x6c: {  	_ =	shalt  }
0x6d: {  	_ =	shalt  }
0x6e: {  	_ =	shalt  }
0x6f: {  	_ =	shalt  }
0x70: {  	_ =	shalt  }
0x71: {  	_ =	shalt  }
0x72: {  	_ =	shalt  }
0x73: {  	_ =	shalt  }
0x74: {  	_ =	shalt  }
0x75: {  	_ =	shalt  }
0x76: {  	_ =	shalt  }
0x77: {  	_ =	shalt  }
0x78: {  	_ =	shalt  }
0x79: {  	_ =	shalt  }
0x7a: {  	_ =	shalt  }
0x7b: {  	_ =	shalt  }
0x7c: {  	_ =	shalt  }
0x7d: {  	_ =	shalt  }
0x7e: {  	_ =	shalt  }
0x7f: {  	_ =	shalt  }
0x80: {  	_ =	shalt  }
0x81: {  	_ =	shalt  }
0x82: {  	_ =	shalt  }
0x83: {  	_ =	shalt  }
0x84: {  	_ =	shalt  }
0x85: {  	_ =	shalt  }
0x86: {  	_ =	shalt  }
0x87: {  	_ =	shalt  }
.Lfunc_end0:
.L_simem_size_0:
called_computation_lowered:
.L_overlay_start_0:
0x88: {  	s2 =	sld [smem:$0x3FD9]  }
0x89: {  	s3 =	sld [smem:$0x3FFE];
	_ =	sdelay $0x1  }
0x8a: {  	s1 =	srdreg.scid  }
0x8b: {  	s0 =	sand.u32 $0x1, s1  }
0x8c: {  	s16 =	sshll.u32 s0, $0xA;
	s2 =	sadd.s32 s3, s2  }
0x8d: {  	s2 =	sadd.s32 s2, s16  }
0x8e: {  	[smem:$0x3FC3] =	sst s2  }
0x8f: {  	_ = 	snop  }
0x90: {  	(tm) =	ssettm $0x1  }
0x91: {  	s17 =	sld [smem:$0x3FFB];
	_ =	sdelay $0x3  }
0x92: {  	_ =	strace s17  }
0x93: {  	s2 =	sld [smem:$0x3FFC];
	_ =	sdelay $0x3  }
0x94: {  	_ =	strace s2  }
0x95: {  	s2 =	sld [smem:$0x3FFD];
	_ =	sdelay $0x3  }
0x96: {  	_ =	strace s2  }
0x97: {  	_ =	strace $0x8FFFFFFF  }
0x98: {  	s18 =	sld [smem:$0x3FDB];
	_ =	sdelay $0x1  }
0x99: {  	s19 =	simm.s32 $_scs_section_size  }
0x9a: {  	s4 =	simm.s32 $_size__tile_overlayer_lowered;
	s5 =	simm.s32 $_tile_overlayer_lowered  }
0x9b: {  	s22 =	simm.s32 $0x1BFF;
	s21 =	sshll.u32 s5, $0x1;
	s2 =	sadd.s32 s19, s18  }
0x9c: {  	s6 =	simm.s32 $0x0;
	s20 =	sshll.u32 s4, $0x1;
	s4 =	sadd.s32 s21, s2  }
0x9d: {  	[timem:s6], [sflag:s22] =	dma.local [hbm:s4], s20  }
0x9e: {  	_ =	swait.ge [sflag:s22], s20  }
0x9f: {  	s3 =	ssub.s32 $0x0, s20;
	[sflag:s22] =	ssyncset.done $0x0  }
0xa0: {  	[sflag:s22] =	ssyncadd.s32 s3;
	_ =	sdelay $0x1  }
0xa1: {  	s23 =	simm.s32 $0x1B8B  }
0xa2: {  	_ =	swait.ge [sflag:s23], $0x1  }
0xa3: {  	[sflag:s23] =	ssyncset.done $0x0  }
0xa4: {  	s25 =	simm.s32 $0x1B8E;
	s24 =	sld [smem:$0x3FFE];
	[sflag:s23] =	ssyncadd.s32 $0xFFFFFFFF  }
0xa5: {  	s26 =	simm.s32 $execute0_lowered;
	[smem:$0x3FD2] =	sst s25  }
0xa6: {  	s4 =	sshll.u32 s26, $0x1;
	_ =	strace $0x80000046;
	[dreg:$0x1] =	wrdreg $0xFFFFFFFF  }
0xa7: {  	s28 =	simm.s32 $_size_execute0_lowered;
	s2 =	sadd.s32 s2, s4;
	[dreg:$0x0] =	wrdreg $0x0  }
0xa8: {  	s4 =	sshll.u32 s28, $0x1;
	[dreg:$0x2] =	wrdreg s2  }
0xa9: {  	[dreg:$0x3] =	wrdreg s4  }
0xaa: {  	[dreg:$0x4] =	wrdreg $0xC0  }
0xab: {  	_ =	task [dreg:s6], $0x5FFFF  }
0xac: {  	[dreg:$0x1] =	wrdreg $0xFFFFFFFF  }
0xad: {  	[dreg:$0x0] =	wrdreg $0x60  }
0xae: {  	[dreg:$0x2] =	wrdreg s24  }
0xaf: {  	[dreg:$0x3] =	wrdreg $0x9  }
0xb0: {  	_ =	task.clear_ibuf [dreg:s6], $0x4FFFF;
	_ =	strace $0x90000046  }
0xb1: {  	s29 =	simm.s32 $0x9;
	_ =	strace $0x80000048  }
0xb2: {  	_ =	swait.ge [sflag:s29], $0x1  }
0xb3: {  	[sflag:s29] =	ssyncadd.s32 $0xFFFFFFFF  }
0xb4: {  	_ =	strace $0x90000048  }
0xb5: {  	_ =	sfence  }
0xb6: {  	s30 =	sld [smem:$0x0];
	_ =	sdelay $0x2  }
0xb7: {  	s31 =	sshll.u32 s1, $0xD;
	s1 =	sshrl.u32 s1, $0x2  }
0xb8: {  	s3 =	sand.u32 $0x4000, s31;
	s1 =	sadd.s32 s1, s30  }
0xb9: {  	s0 =	sor.u32 s3, s0;
	s1 =	sshll.u32 s1, $0x11  }
0xba: {  	s0 =	sor.u32 s1, s0  }
0xbb: {  	s0 =	sadd.s32 $0x8F2B, s0  }
0xbc: {  	[sflag:s0] =	ssyncadd.remote.s32 $0x1  }
0xbd: {  	_ =	sfence.sel $0xFFFF  }
0xbe: {  	[dreg:$0x0] =	wrdreg $0xFFFFFFFF;
	(pc) =	sbr.abs _section_cstart, $3  }
0xbf: {  	[dreg:$0x1] =	wrdreg $0xFFFFFFFF  }
0xc0: {  	_ =	task.clear_ibuf [dreg:s6], $0x2FFFF;
	_ =	strace $0x9FFFFFFF  }
0xc1: {  	(tm) =	ssettm $0x7FFFFFFF  }
tec
execute0_lowered:
.L_overlay_start_1:
0x0: {  	(tag) =	ssettag $0x1  }
0x1: {  	s1 =	srdreg.scid  }
0x2: {  	s0 =	stileid.u32;
	s5 =	rddreg [dreg:$0x0];
	s2 =	simm.s32 $0x0  }
0x3: {  	s12 =	simm.s32 $0x5800;
	s13 =	simm.s32 $0x30;
	s14 =	simm.s32 $0xB700  }
0x4: {  	s15 =	simm.s32 $0x8780;
	s16 =	simm.s32 $0x2830;
	s17 =	simm.s32 $0xF000  }
0x5: {  	s18 =	simm.s32 $0x1;
	s19 =	simm.s32 $0x3;
	s20 =	simm.s32 $0x2  }
0x6: {  	s21 =	simm.s32 $0x4;
	s4 =	sand.u32 $0x1, s1;
	s31 =	sshll.u32 s0, $0x1  }
0x7: {  	s22 =	simm.s32 $0x12900;
	[smem:$0x7FF] =	sst s2;
	s6 =	sor.u32 s4, s31  }
0x8: {  	s1 =	rddreg [dreg:$0x1];
	_ =	strace $0x80000047;
	s3 =	smul.u32 $0x500, s6  }
0x9: {  	s9 =	ssub.s32 $0x2, s4;
	s7 =	smul.u32 $0x600, s6;
	s6 =	sshll.u32 s6, $0xB  }
0xa: {  	s4 =	sadd.s32 $0xC00, s5;
	s10 =	sshrl.u32 s9, $0x1;
	s11 =	sadd.s32 s6, s5  }
0xb: {  	s9 =	ssub.s32 s9, s10;
	s10 =	simm.s32 $0x2800;
	s8 =	sadd.s32 s3, s5  }
0xc: {  	s7 =	sadd.s32 s7, s5;
	s3 =	sadd.s32 $0x3A0800, s5;
	s5 =	sadd.s32 $0x74C400, s8  }
0xd: {  	s23 =	simm.s32 $0x0;
	s6 =	sadd.s32 $0x740400, s7;
	s7 =	sadd.s32 $0x756400, s11  }
0xe: {  	v0 =	vimm.f32 $0.0e+00;
	s8 =	smax.u32 s9, $0x1;
	s9 =	simm.s32 $0x5;
	s11 =	simm.s32 $0x28  }
.LBB2_1:
0xf: {  	[tilespmem:s2], [sflag:$0x5] =	stream.linear.gather [hbm4b:s5+s2], $0x2800, $0x38;
	[tilespmem:$0x16900] =	vst v63  }
0x10: {  	_ =	swait.ge [sflag:s9], $0x2800  }
0x11: {  	[sflag:s9] =	ssyncset.done $0x0  }
0x12: {  	[sflag:s9] =	ssyncadd.s32 $0xFFFFD800  }
0x13: {  	[tilespmem:s10], [sflag:$0x5] =	stream.linear.gather [hbm4b:s6+s2], $0x3000, $0x38;
	[tilespmem:$0x16900] =	vst v63  }
0x14: {  	_ =	swait.ge [sflag:s9], $0x3000  }
0x15: {  	[sflag:s9] =	ssyncset.done $0x0  }
0x16: {  	[sflag:s9] =	ssyncadd.s32 $0xFFFFD000  }
0x17: {  	[tilespmem:s12], [sflag:$0x1] =	stream.indirect.gather [hbm4b:s3+s11], $0x130, s2, s11, $0xb8;
	[tilespmem:$0x16900] =	vst v63  }
0x18: {  	_ = 	snop  }
0x19: {  	[tilespmem:s14], [sflag:$0x3] =	stream.indirect.gather [hbm4b:s4+s13], $0x130, s10, s13, $0xb8;
	[tilespmem:$0x16900] =	vst v63  }
0x1a: {  	_ = 	snop  }
0x1b: {  	[tilespmem:s15], [sflag:$0x2] =	stream.indirect.gather [hbm4b:s3+s11], $0x130, s11, s11, $0xb8;
	[tilespmem:$0x16900] =	vst v63  }
0x1c: {  	_ = 	snop  }
0x1d: {  	[tilespmem:s17], [sflag:$0x4] =	stream.indirect.gather [hbm4b:s4+s13], $0x130, s16, s13, $0xb8;
	[tilespmem:$0x16900] =	vst v63  }
0x1e: {  	_ =	swait.ge [sflag:s18], $0x2F80  }
0x1f: {  	[sflag:s18] =	ssyncset.done $0x0  }
0x20: {  	[sflag:s18] =	ssyncadd.s32 $0xFFFFD080  }
0x21: {  	_ =	swait.ge [sflag:s19], $0x3900  }
0x22: {  	[sflag:s19] =	ssyncset.done $0x0  }
0x23: {  	s24 =	simm.s32 $0x0;
	[sflag:s19] =	ssyncadd.s32 $0xFFFFC700  }
0x24: {  	s25 =	simm.s32 $0x50;
	[tilespmem:s24+$0x12900] =	vst v0  }
0x25: {  	[tilespmem:s12], [sflag:$0x1] =	stream.indirect.gather [hbm4b:s3+s11], $0x130, s25, s11, $0xb8;
	[tilespmem:$0x16900] =	vst v63  }
0x26: {  	s30 =	simm.s32 $0x2860  }
0x27: {  	[tilespmem:s14], [sflag:$0x3] =	stream.indirect.gather [hbm4b:s4+s13], $0x130, s30, s13, $0xb8;
	[tilespmem:$0x16900] =	vst v63  }
0x28: {  	_ =	swait.ge [sflag:s20], $0x2F80  }
0x29: {  	[sflag:s20] =	ssyncset.done $0x0  }
0x2a: {  	[sflag:s20] =	ssyncadd.s32 $0xFFFFD080  }
0x2b: {  	_ =	swait.ge [sflag:s21], $0x3900  }
0x2c: {  	[sflag:s21] =	ssyncset.done $0x0  }
0x2d: {  	s31 =	simm.s32 $0x78;
	s28 =	simm.s32 $0x2890;
	[sflag:s21] =	ssyncadd.s32 $0xFFFFC700  }
0x2e: {  	s26 =	simm.s32 $0x28C0;
	s25 =	simm.s32 $0xC8;
	[tilespmem:s24+$0x12940] =	vst v0;
	s24 =	simm.s32 $0x200  }
0x2f: {  	[tilespmem:s15], [sflag:$0x2] =	stream.indirect.gather [hbm4b:s3+s11], $0x130, s31, s11, $0xb8;
	[tilespmem:$0x16900] =	vst v63  }
.LBB2_2:
0x30: {  	[tilespmem:s17], [sflag:$0x4] =	stream.indirect.gather [hbm4b:s4+s13], $0x130, s28, s13, $0xb8;
	[tilespmem:$0x16900] =	vst v63  }
0x31: {  	s28 =	smov.u32 s24  }
0x32: {  	p0 =	sne.s32 s24, $0xFC00;
	s24 =	sadd.s32 $0x200, s24;
	_ =	swait.ge [sflag:s18], $0x2F80  }
0x33: {  	[sflag:s18] =	ssyncset.done $0x0  }
0x34: {  	[sflag:s18] =	ssyncadd.s32 $0xFFFFD080  }
0x35: {  	_ =	swait.ge [sflag:s19], $0x3900  }
0x36: {  	[sflag:s19] =	ssyncset.done $0x0  }
0x37: {  	s28 =	sshra.s32 s28, $0x2;
	[sflag:s19] =	ssyncadd.s32 $0xFFFFC700  }
0x38: {  	s29 =	sadd.s32 $0xFFFFFFD8, s25;
	[tilespmem:s28+$0x12900] =	vst v0  }
0x39: {  	[tilespmem:s12], [sflag:$0x1] =	stream.indirect.gather [hbm4b:s3+s11], $0x130, s29, s11, $0xb8;
	[tilespmem:$0x16900] =	vst v63  }
0x3a: {  	_ = 	snop  }
0x3b: {  	[tilespmem:s14], [sflag:$0x3] =	stream.indirect.gather [hbm4b:s4+s13], $0x130, s26, s13, $0xb8;
	[tilespmem:$0x16900] =	vst v63  }
0x3c: {  	_ =	swait.ge [sflag:s20], $0x2F80  }
0x3d: {  	[sflag:s20] =	ssyncset.done $0x0  }
0x3e: {  	[sflag:s20] =	ssyncadd.s32 $0xFFFFD080  }
0x3f: {  	_ =	swait.ge [sflag:s21], $0x3900  }
.Ltmp0:
0x40: {  	[sflag:s21] =	ssyncset.done $0x0;
	(pc) =	sbr.rel @p0 .LBB2_2-.Ltmp0, $4  }
0x41: {  	[sflag:s21] =	ssyncadd.s32 $0xFFFFC700  }
0x42: {  	[tilespmem:s28+$0x12940] =	vst v0  }
0x43: {  	[tilespmem:s15], [sflag:$0x2] =	stream.indirect.gather [hbm4b:s3+s11], $0x130, s25, s11, $0xb8;
	[tilespmem:$0x16900] =	vst v63  }
0x44: {  	s28 =	sadd.s32 $0x30, s26;
	s26 =	sadd.s32 $0x60, s26;
	s25 =	sadd.s32 $0x50, s25  }
0x45: {  	[tilespmem:s17], [sflag:$0x4] =	stream.indirect.gather [hbm4b:s4+s13], $0x130, s28, s13, $0xb8;
	[tilespmem:$0x16900] =	vst v63  }
0x46: {  	_ =	swait.ge [sflag:s18], $0x2F80  }
0x47: {  	[sflag:s18] =	ssyncset.done $0x0  }
0x48: {  	[sflag:s18] =	ssyncadd.s32 $0xFFFFD080  }
0x49: {  	_ =	swait.ge [sflag:s19], $0x3900  }
0x4a: {  	[sflag:s19] =	ssyncset.done $0x0  }
0x4b: {  	[sflag:s19] =	ssyncadd.s32 $0xFFFFC700  }
0x4c: {  	[tilespmem:$0x16880] =	vst v0  }
0x4d: {  	_ =	swait.ge [sflag:s20], $0x2F80  }
0x4e: {  	[sflag:s20] =	ssyncset.done $0x0  }
0x4f: {  	[sflag:s20] =	ssyncadd.s32 $0xFFFFD080  }
0x50: {  	_ =	swait.ge [sflag:s21], $0x3900  }
0x51: {  	s23 =	sadd.s32 $0x1, s23;
	[sflag:s21] =	ssyncset.done $0x0  }
0x52: {  	p0 =	sne.s32 s23, s8;
	[sflag:s21] =	ssyncadd.s32 $0xFFFFC700  }
.Ltmp1:
0x53: {  	[tilespmem:$0x168C0] =	vst v0;
	(pc) =	sbr.rel @p0 .LBB2_1-.Ltmp1, $4  }
0x54: {  	[hbm4b:s7+s2] =	stream.linear.scatter [tilespmem:s22], [sflag:$0x5], $0x4000, $0x38;
	[tilespmem:$0x16900] =	vst v63  }
0x55: {  	_ =	swait.ge [sflag:s9], $0x4000  }
0x56: {  	[sflag:s9] =	ssyncset.done $0x0  }
0x57: {  	[sflag:s9] =	ssyncadd.s32 $0xFFFFC000  }
0x58: {  	_ =	sfence.sel $0x180000  }
0x59: {  	[bflag:$0x0] =	sbarrier.arrive $0xFFFF  }
0x5a: {  	p0 =	sne.s32 s0, $0x0;
	_ =	strace $0x90000047  }
0x5b: {  	s0 =	sadd.s32 @!p0 $0x100000, s1;
	[bflag:$0x2] =	sbarrier.arrive $0xFFFF  }
0x5c: {  	[sflag:s0] =	ssyncadd.tile.s32 @!p0 $0x1;
	_ =	shalt  }
.Lfunc_end2:
_tile_overlayer_lowered:
.L_overlay_start_2:
0x5d: {  	(tag) =	ssettag $0x2  }
0x5e: {  	s0 =	rddreg [dreg:$0x0];
	s2 =	stileid.u32  }
0x5f: {  	s1 =	rddreg [dreg:$0x1];
	p0 =	sne.s32 s2, $0x0  }
0x60: {  	s3 =	rddreg [dreg:$0x2];
	[bflag:$0x3] =	sbarrier.arrive $0xFFFF;
	s2 =	simm.s32 @!p0 $0x1C05  }
0x61: {  	[timem:s3], [sflag:s2] =	dma.local @!p0 [hbm:s0], s1  }
0x62: {  	s0 =	simm.s32 @!p0 $0x5  }
0x63: {  	_ =	swait.ge @!p0 [sflag:s0], s1  }
0x64: {  	s1 =	ssub.s32 @!p0 $0x0, s1;
	[sflag:s0] =	ssyncset.done @!p0 $0x0  }
0x65: {  	[sflag:s0] =	ssyncadd.s32 @!p0 s1  }
0x66: {  	[bflag:$0x3] =	sbarrier.arrive $0xFFFF  }
0x67: {  	_ =	shalt  }

</sc_bundles>
